<compile_context>
chip_gen: v7x
topology: tpu7x:2x2x1
jax: 0.10.2.dev20260603
libtpu: 0.0.44.dev20260713+nightly
codegen_flags: <defaults>
</compile_context>

<pallas_src>
import functools

import jax
import jax.numpy as jnp
from jax import lax
from jax.experimental import pallas as pl
from jax.experimental.pallas import tpu as pltpu
from jax.experimental.pallas import tpu_sc as plsc

E = 320000
D = 128
N = 10000
NC = 2
NS = 16
DH = D // NC
EPT = E // NS
C = 125
K = EPT // C
RPT = N // NS
ZR = 125
NZ = RPT // ZR


def _body(msgs_hbm, tgt_hbm, out_hbm, idx_v, mbuf, zbuf, acc, lsem):
    cid = lax.axis_index("c")
    sid = lax.axis_index("s")
    ebase = sid * EPT
    fbase = cid * DH

    pltpu.sync_copy(tgt_hbm.at[sid], idx_v)

    def zrow(r, _):
        def zcol(g, _):
            zbuf[r, pl.ds(g * 16, 16)] = jnp.zeros((16,), jnp.float32)
            return 0
        return lax.fori_loop(0, DH // 16, zcol, 0)

    lax.fori_loop(0, ZR, zrow, 0)
    for z in range(NZ):
        pltpu.sync_copy(zbuf, acc.at[pl.ds(sid * RPT + z * ZR, ZR)])

    plsc.subcore_barrier()

    def pair(t, _):
        for b in range(2):
            j = t * 2 + b
            pltpu.sync_copy(mbuf.at[b], acc.at[idx_v.at[j]], add=True)
        return 0

    lax.fori_loop(0, K // 2, pair, 0)

    plsc.subcore_barrier()

    rbase = sid * RPT
    pltpu.sync_copy(
        acc.at[pl.ds(rbase, RPT)],
        out_hbm.at[pl.ds(rbase, RPT), pl.ds(fbase, DH)],
    )


@jax.jit
def _scatter_add(messages, targets):
    mesh = plsc.VectorSubcoreMesh(core_axis_name="c", subcore_axis_name="s")
    run = functools.partial(
        pl.kernel,
        mesh=mesh,
        compiler_params=pltpu.CompilerParams(use_tc_tiling_on_sc=False),
        out_type=jax.ShapeDtypeStruct((N, D), jnp.float32),
        scratch_types=[
            pltpu.VMEM((K, C), jnp.int32),
            pltpu.VMEM((2, C, DH), jnp.float32),
            pltpu.VMEM((ZR, DH), jnp.float32),
            pltpu.VMEM_SHARED((N, DH), jnp.float32),
            pltpu.SemaphoreType.DMA((2,)),
        ],
    )(_body)
    return run(messages, targets.reshape(NS, K, C))


def kernel(messages, edge_index, num_nodes):
    return _scatter_add(messages, edge_index[1])

# --- scband reference (transcript-rebuilt; emitter-appended) ---
"""Pipeline reference for scband-sagestage3-reduce-sum-47596827574313 (READ-ONLY COPY).

The authoritative reference and input builder live on the scoring server;
editing this copy changes nothing except your own understanding.
"""

import jax, jax.numpy as jnp
import numpy as np


def setup_inputs(seed: int = 0) -> dict:
    key = jax.random.key(seed)
    k1, k2 = jax.random.split(key)
    messages = jax.random.normal(k1, (320000, 128), dtype=jnp.float32)
    edge_index = jax.random.randint(k2, (2, 320000), 0, 10000, dtype=jnp.int32)
    num_nodes = 10000
    return {"messages": messages, "edge_index": edge_index, "num_nodes": num_nodes}


def reference(messages, edge_index, num_nodes):
    # Stage 3: REDUCE_SUM - sum aggregation via scatter-add onto destination nodes
    target_nodes = edge_index[1]
    feat_dim = messages.shape[1]
    static_num_nodes = 10000
    valid = target_nodes < num_nodes
    safe_targets = jnp.where(valid, target_nodes, 0)
    masked_messages = jnp.where(valid[:, None], messages, jnp.zeros_like(messages))
    out = jnp.zeros((static_num_nodes, feat_dim), dtype=messages.dtype)
    out = out.at[safe_targets].add(masked_messages)
    return out

if __name__ == "__main__":
    import jax
    _d = setup_inputs()
    print(jax.jit(kernel)(*tuple(_d.values())))

</pallas_src>

<mosaic_0001>
#map = affine_map<(d0, d1) -> (0, 0)>
#map1 = affine_map<(d0, d1) -> (0, 0, 0)>
module attributes {stable_mosaic.version = 14 : i64} {
  func.func @_body(%arg0: i32, %arg1: i32, %arg2: memref<320000x128xf32, #tpu.memory_space<hbm>>, %arg3: memref<16x160x125xi32, #tpu.memory_space<hbm>>, %arg4: memref<10000x128xf32, #tpu.memory_space<hbm>>, %arg5: memref<160x125xi32, #tpu.memory_space<vmem>>, %arg6: memref<2x125x64xf32, #tpu.memory_space<vmem>>, %arg7: memref<125x64xf32, #tpu.memory_space<vmem>>, %arg8: memref<10000x64xf32, #tpu.memory_space<vmem_shared>>, %arg9: memref<2x!tpu.dma_semaphore, #tpu.memory_space<semaphore_mem>>) attributes {dimension_semantics = [#tpu.dimension_semantics<core_parallel>, #tpu.dimension_semantics<subcore_parallel>], iteration_bounds = array<i64: 2, 16>, scalar_prefetch = 0 : i64, scratch_operands = 5 : i64, tpu.core_type = #tpu.core_type<sc_vector_subcore>, window_params = [{transform_indices = #map}, {transform_indices = #map1}, {transform_indices = #map}]} {
    %mul3A = arith.constant 20000 : i32
    %mul3A_0 = arith.muli %arg1, %mul3A : i32
    %mul3A_1 = arith.constant 64 : i32
    %mul3A_2 = arith.muli %arg0, %mul3A_1 : i32
    "tpu.region"() ({
      %run_scoped3A = tpu.sem_alloc : memref<!tpu.dma_semaphore, #tpu.memory_space<semaphore_mem>>
      %dma_start3A = arith.constant 0 : i32
      %dma_start3A_38 = arith.constant 0 : i32
      %dma_start3A_39 = tpu.memref_slice %arg3[%arg1, %dma_start3A, %dma_start3A_38] : memref<16x160x125xi32, #tpu.memory_space<hbm>> -> memref<1x160x125xi32, #tpu.memory_space<hbm>>
      %dma_start3A_40 = tpu.memref_squeeze %dma_start3A_39 : memref<1x160x125xi32, #tpu.memory_space<hbm>> -> memref<160x125xi32, #tpu.memory_space<hbm>>
      %dma_start3A_41 = arith.constant 0 : i32
      %dma_start3A_42 = arith.constant 0 : i32
      %dma_start3A_43 = tpu.memref_slice %arg3[%arg1, %dma_start3A_41, %dma_start3A_42] : memref<16x160x125xi32, #tpu.memory_space<hbm>> -> memref<1x160x125xi32, #tpu.memory_space<hbm>>
      %dma_start3A_44 = tpu.memref_squeeze %dma_start3A_43 : memref<1x160x125xi32, #tpu.memory_space<hbm>> -> memref<160x125xi32, #tpu.memory_space<hbm>>
      tpu.enqueue_dma source(%dma_start3A_44 : memref<160x125xi32, #tpu.memory_space<hbm>>) target(%arg5 : memref<160x125xi32, #tpu.memory_space<vmem>>) target_semaphore(%run_scoped3A : memref<!tpu.dma_semaphore, #tpu.memory_space<semaphore_mem>>)
      %dma_wait3A = arith.constant 0 : i32
      %dma_wait3A_45 = arith.constant 0 : i32
      %dma_wait3A_46 = tpu.memref_slice %arg3[%arg1, %dma_wait3A, %dma_wait3A_45] : memref<16x160x125xi32, #tpu.memory_space<hbm>> -> memref<1x160x125xi32, #tpu.memory_space<hbm>>
      %dma_wait3A_47 = tpu.memref_squeeze %dma_wait3A_46 : memref<1x160x125xi32, #tpu.memory_space<hbm>> -> memref<160x125xi32, #tpu.memory_space<hbm>>
      %dma_wait3A_48 = arith.constant 0 : i32
      %dma_wait3A_49 = arith.constant 0 : i32
      %dma_wait3A_50 = tpu.memref_slice %arg3[%arg1, %dma_wait3A_48, %dma_wait3A_49] : memref<16x160x125xi32, #tpu.memory_space<hbm>> -> memref<1x160x125xi32, #tpu.memory_space<hbm>>
      %dma_wait3A_51 = tpu.memref_squeeze %dma_wait3A_50 : memref<1x160x125xi32, #tpu.memory_space<hbm>> -> memref<160x125xi32, #tpu.memory_space<hbm>>
      tpu.wait_dma2 semaphore(%run_scoped3A : memref<!tpu.dma_semaphore, #tpu.memory_space<semaphore_mem>>) src(%dma_wait3A_51 : memref<160x125xi32, #tpu.memory_space<hbm>>) dst(%arg5 : memref<160x125xi32, #tpu.memory_space<vmem>>)
      tpu.yield
    }) : () -> ()
    %scan3A = arith.constant 0 : i32
    %scan3A_3 = arith.constant 0 : i32
    %scan3A_4 = arith.constant 125 : i32
    %scan3A_5 = arith.addi %scan3A_3, %scan3A_4 : i32
    %scan3A_6 = arith.constant 1 : i32
    %scan3A_7 = scf.for %scan3A_38 = %scan3A_3 to %scan3A_5 step %scan3A_6 iter_args(%scan3A_39 = %scan3A) -> (i32)  : i32 {
      %scan3A_40 = arith.constant 0 : i32
      %scan3A_41 = arith.constant 0 : i32
      %scan3A_42 = arith.constant 4 : i32
      %scan3A_43 = arith.addi %scan3A_41, %scan3A_42 : i32
      %scan3A_44 = arith.constant 1 : i32
      %scan3A_45 = scf.for %scan3A_47 = %scan3A_41 to %scan3A_43 step %scan3A_44 iter_args(%scan3A_48 = %scan3A_40) -> (i32)  : i32 {
        %broadcast_in_dim3A = arith.constant 0.000000e+00 : f32
        %broadcast_in_dim3A_49 = vector.broadcast %broadcast_in_dim3A : f32 to vector<16xf32>
        %mul3A_50 = arith.constant 16 : i32
        %mul3A_51 = arith.muli %scan3A_47, %mul3A_50 : i32
        %swap3A = arith.index_cast %scan3A_38 : i32 to index
        %swap3A_52 = arith.index_cast %mul3A_51 : i32 to index
        %swap3A_53 = tpu.vector_load %arg7[%swap3A, %swap3A_52] {strides = array<i32>} : memref<125x64xf32, #tpu.memory_space<vmem>>, vector<1x16xf32>,
        %swap3A_54 = vector.shape_cast %swap3A_53 : vector<1x16xf32> to vector<16xf32>
        %swap3A_55 = vector.shape_cast %broadcast_in_dim3A_49 : vector<16xf32> to vector<1x16xf32>
        tpu.vector_store %arg7[%swap3A, %swap3A_52], %swap3A_55 {strides = array<i32>} : memref<125x64xf32, #tpu.memory_space<vmem>>, vector<1x16xf32>,
        %scan3A_56 = arith.constant 0 : i32
        scf.yield %scan3A_56 : i32
      }
      %scan3A_46 = arith.constant 4 : i32
      scf.yield %scan3A_45 : i32
    }
    %scan3A_8 = arith.constant 125 : i32
    %mul3A_9 = arith.constant 625 : i32
    %mul3A_10 = arith.muli %arg1, %mul3A_9 : i32
    %add3A = arith.constant 0 : i32
    %add3A_11 = arith.addi %mul3A_10, %add3A : i32
    "tpu.region"() ({
      %run_scoped3A = tpu.sem_alloc : memref<!tpu.dma_semaphore, #tpu.memory_space<semaphore_mem>>
      %dma_start3A = arith.constant 0 : i32
      %dma_start3A_38 = tpu.memref_slice %arg8[%add3A_11, %dma_start3A] : memref<10000x64xf32, #tpu.memory_space<vmem_shared>> -> memref<125x64xf32, #tpu.memory_space<vmem_shared>>
      %dma_start3A_39 = arith.constant 0 : i32
      %dma_start3A_40 = tpu.memref_slice %arg8[%add3A_11, %dma_start3A_39] : memref<10000x64xf32, #tpu.memory_space<vmem_shared>> -> memref<125x64xf32, #tpu.memory_space<vmem_shared>>
      tpu.enqueue_dma source(%arg7 : memref<125x64xf32, #tpu.memory_space<vmem>>) target(%dma_start3A_40 : memref<125x64xf32, #tpu.memory_space<vmem_shared>>) target_semaphore(%run_scoped3A : memref<!tpu.dma_semaphore, #tpu.memory_space<semaphore_mem>>)
      %dma_wait3A = arith.constant 0 : i32
      %dma_wait3A_41 = tpu.memref_slice %arg8[%add3A_11, %dma_wait3A] : memref<10000x64xf32, #tpu.memory_space<vmem_shared>> -> memref<125x64xf32, #tpu.memory_space<vmem_shared>>
      %dma_wait3A_42 = arith.constant 0 : i32
      %dma_wait3A_43 = tpu.memref_slice %arg8[%add3A_11, %dma_wait3A_42] : memref<10000x64xf32, #tpu.memory_space<vmem_shared>> -> memref<125x64xf32, #tpu.memory_space<vmem_shared>>
      tpu.wait_dma2 semaphore(%run_scoped3A : memref<!tpu.dma_semaphore, #tpu.memory_space<semaphore_mem>>) src(%arg7 : memref<125x64xf32, #tpu.memory_space<vmem>>) dst(%dma_wait3A_43 : memref<125x64xf32, #tpu.memory_space<vmem_shared>>)
      tpu.yield
    }) : () -> ()
    %mul3A_12 = arith.constant 625 : i32
    %mul3A_13 = arith.muli %arg1, %mul3A_12 : i32
    %add3A_14 = arith.constant 125 : i32
    %add3A_15 = arith.addi %mul3A_13, %add3A_14 : i32
    "tpu.region"() ({
      %run_scoped3A = tpu.sem_alloc : memref<!tpu.dma_semaphore, #tpu.memory_space<semaphore_mem>>
      %dma_start3A = arith.constant 0 : i32
      %dma_start3A_38 = tpu.memref_slice %arg8[%add3A_15, %dma_start3A] : memref<10000x64xf32, #tpu.memory_space<vmem_shared>> -> memref<125x64xf32, #tpu.memory_space<vmem_shared>>
      %dma_start3A_39 = arith.constant 0 : i32
      %dma_start3A_40 = tpu.memref_slice %arg8[%add3A_15, %dma_start3A_39] : memref<10000x64xf32, #tpu.memory_space<vmem_shared>> -> memref<125x64xf32, #tpu.memory_space<vmem_shared>>
      tpu.enqueue_dma source(%arg7 : memref<125x64xf32, #tpu.memory_space<vmem>>) target(%dma_start3A_40 : memref<125x64xf32, #tpu.memory_space<vmem_shared>>) target_semaphore(%run_scoped3A : memref<!tpu.dma_semaphore, #tpu.memory_space<semaphore_mem>>)
      %dma_wait3A = arith.constant 0 : i32
      %dma_wait3A_41 = tpu.memref_slice %arg8[%add3A_15, %dma_wait3A] : memref<10000x64xf32, #tpu.memory_space<vmem_shared>> -> memref<125x64xf32, #tpu.memory_space<vmem_shared>>
      %dma_wait3A_42 = arith.constant 0 : i32
      %dma_wait3A_43 = tpu.memref_slice %arg8[%add3A_15, %dma_wait3A_42] : memref<10000x64xf32, #tpu.memory_space<vmem_shared>> -> memref<125x64xf32, #tpu.memory_space<vmem_shared>>
      tpu.wait_dma2 semaphore(%run_scoped3A : memref<!tpu.dma_semaphore, #tpu.memory_space<semaphore_mem>>) src(%arg7 : memref<125x64xf32, #tpu.memory_space<vmem>>) dst(%dma_wait3A_43 : memref<125x64xf32, #tpu.memory_space<vmem_shared>>)
      tpu.yield
    }) : () -> ()
    %mul3A_16 = arith.constant 625 : i32
    %mul3A_17 = arith.muli %arg1, %mul3A_16 : i32
    %add3A_18 = arith.constant 250 : i32
    %add3A_19 = arith.addi %mul3A_17, %add3A_18 : i32
    "tpu.region"() ({
      %run_scoped3A = tpu.sem_alloc : memref<!tpu.dma_semaphore, #tpu.memory_space<semaphore_mem>>
      %dma_start3A = arith.constant 0 : i32
      %dma_start3A_38 = tpu.memref_slice %arg8[%add3A_19, %dma_start3A] : memref<10000x64xf32, #tpu.memory_space<vmem_shared>> -> memref<125x64xf32, #tpu.memory_space<vmem_shared>>
      %dma_start3A_39 = arith.constant 0 : i32
      %dma_start3A_40 = tpu.memref_slice %arg8[%add3A_19, %dma_start3A_39] : memref<10000x64xf32, #tpu.memory_space<vmem_shared>> -> memref<125x64xf32, #tpu.memory_space<vmem_shared>>
      tpu.enqueue_dma source(%arg7 : memref<125x64xf32, #tpu.memory_space<vmem>>) target(%dma_start3A_40 : memref<125x64xf32, #tpu.memory_space<vmem_shared>>) target_semaphore(%run_scoped3A : memref<!tpu.dma_semaphore, #tpu.memory_space<semaphore_mem>>)
      %dma_wait3A = arith.constant 0 : i32
      %dma_wait3A_41 = tpu.memref_slice %arg8[%add3A_19, %dma_wait3A] : memref<10000x64xf32, #tpu.memory_space<vmem_shared>> -> memref<125x64xf32, #tpu.memory_space<vmem_shared>>
      %dma_wait3A_42 = arith.constant 0 : i32
      %dma_wait3A_43 = tpu.memref_slice %arg8[%add3A_19, %dma_wait3A_42] : memref<10000x64xf32, #tpu.memory_space<vmem_shared>> -> memref<125x64xf32, #tpu.memory_space<vmem_shared>>
      tpu.wait_dma2 semaphore(%run_scoped3A : memref<!tpu.dma_semaphore, #tpu.memory_space<semaphore_mem>>) src(%arg7 : memref<125x64xf32, #tpu.memory_space<vmem>>) dst(%dma_wait3A_43 : memref<125x64xf32, #tpu.memory_space<vmem_shared>>)
      tpu.yield
    }) : () -> ()
    %mul3A_20 = arith.constant 625 : i32
    %mul3A_21 = arith.muli %arg1, %mul3A_20 : i32
    %add3A_22 = arith.constant 375 : i32
    %add3A_23 = arith.addi %mul3A_21, %add3A_22 : i32
    "tpu.region"() ({
      %run_scoped3A = tpu.sem_alloc : memref<!tpu.dma_semaphore, #tpu.memory_space<semaphore_mem>>
      %dma_start3A = arith.constant 0 : i32
      %dma_start3A_38 = tpu.memref_slice %arg8[%add3A_23, %dma_start3A] : memref<10000x64xf32, #tpu.memory_space<vmem_shared>> -> memref<125x64xf32, #tpu.memory_space<vmem_shared>>
      %dma_start3A_39 = arith.constant 0 : i32
      %dma_start3A_40 = tpu.memref_slice %arg8[%add3A_23, %dma_start3A_39] : memref<10000x64xf32, #tpu.memory_space<vmem_shared>> -> memref<125x64xf32, #tpu.memory_space<vmem_shared>>
      tpu.enqueue_dma source(%arg7 : memref<125x64xf32, #tpu.memory_space<vmem>>) target(%dma_start3A_40 : memref<125x64xf32, #tpu.memory_space<vmem_shared>>) target_semaphore(%run_scoped3A : memref<!tpu.dma_semaphore, #tpu.memory_space<semaphore_mem>>)
      %dma_wait3A = arith.constant 0 : i32
      %dma_wait3A_41 = tpu.memref_slice %arg8[%add3A_23, %dma_wait3A] : memref<10000x64xf32, #tpu.memory_space<vmem_shared>> -> memref<125x64xf32, #tpu.memory_space<vmem_shared>>
      %dma_wait3A_42 = arith.constant 0 : i32
      %dma_wait3A_43 = tpu.memref_slice %arg8[%add3A_23, %dma_wait3A_42] : memref<10000x64xf32, #tpu.memory_space<vmem_shared>> -> memref<125x64xf32, #tpu.memory_space<vmem_shared>>
      tpu.wait_dma2 semaphore(%run_scoped3A : memref<!tpu.dma_semaphore, #tpu.memory_space<semaphore_mem>>) src(%arg7 : memref<125x64xf32, #tpu.memory_space<vmem>>) dst(%dma_wait3A_43 : memref<125x64xf32, #tpu.memory_space<vmem_shared>>)
      tpu.yield
    }) : () -> ()
    %mul3A_24 = arith.constant 625 : i32
    %mul3A_25 = arith.muli %arg1, %mul3A_24 : i32
    %add3A_26 = arith.constant 500 : i32
    %add3A_27 = arith.addi %mul3A_25, %add3A_26 : i32
    "tpu.region"() ({
      %run_scoped3A = tpu.sem_alloc : memref<!tpu.dma_semaphore, #tpu.memory_space<semaphore_mem>>
      %dma_start3A = arith.constant 0 : i32
      %dma_start3A_38 = tpu.memref_slice %arg8[%add3A_27, %dma_start3A] : memref<10000x64xf32, #tpu.memory_space<vmem_shared>> -> memref<125x64xf32, #tpu.memory_space<vmem_shared>>
      %dma_start3A_39 = arith.constant 0 : i32
      %dma_start3A_40 = tpu.memref_slice %arg8[%add3A_27, %dma_start3A_39] : memref<10000x64xf32, #tpu.memory_space<vmem_shared>> -> memref<125x64xf32, #tpu.memory_space<vmem_shared>>
      tpu.enqueue_dma source(%arg7 : memref<125x64xf32, #tpu.memory_space<vmem>>) target(%dma_start3A_40 : memref<125x64xf32, #tpu.memory_space<vmem_shared>>) target_semaphore(%run_scoped3A : memref<!tpu.dma_semaphore, #tpu.memory_space<semaphore_mem>>)
      %dma_wait3A = arith.constant 0 : i32
      %dma_wait3A_41 = tpu.memref_slice %arg8[%add3A_27, %dma_wait3A] : memref<10000x64xf32, #tpu.memory_space<vmem_shared>> -> memref<125x64xf32, #tpu.memory_space<vmem_shared>>
      %dma_wait3A_42 = arith.constant 0 : i32
      %dma_wait3A_43 = tpu.memref_slice %arg8[%add3A_27, %dma_wait3A_42] : memref<10000x64xf32, #tpu.memory_space<vmem_shared>> -> memref<125x64xf32, #tpu.memory_space<vmem_shared>>
      tpu.wait_dma2 semaphore(%run_scoped3A : memref<!tpu.dma_semaphore, #tpu.memory_space<semaphore_mem>>) src(%arg7 : memref<125x64xf32, #tpu.memory_space<vmem>>) dst(%dma_wait3A_43 : memref<125x64xf32, #tpu.memory_space<vmem_shared>>)
      tpu.yield
    }) : () -> ()
    %barrier3A = arith.constant 0 : index
    tpu.barrier barrier_id(%barrier3A)
    %scan3A_28 = arith.constant 0 : i32
    %scan3A_29 = arith.constant 0 : i32
    %scan3A_30 = arith.constant 80 : i32
    %scan3A_31 = arith.addi %scan3A_29, %scan3A_30 : i32
    %scan3A_32 = arith.constant 1 : i32
    %scan3A_33 = scf.for %scan3A_38 = %scan3A_29 to %scan3A_31 step %scan3A_32 iter_args(%scan3A_39 = %scan3A_28) -> (i32)  : i32 {
      %mul3A_40 = arith.constant 2 : i32
      %mul3A_41 = arith.muli %scan3A_38, %mul3A_40 : i32
      %add3A_42 = arith.constant 0 : i32
      %add3A_43 = arith.addi %mul3A_41, %add3A_42 : i32
      %run_scoped3A = arith.constant 0 : i32
      "tpu.region"() ({
        %run_scoped3A_50 = tpu.sem_alloc : memref<!tpu.dma_semaphore, #tpu.memory_space<semaphore_mem>>
        %dma_start3A = arith.constant 0 : i32
        %dma_start3A_51 = arith.constant 0 : i32
        %dma_start3A_52 = tpu.memref_slice %arg6[%run_scoped3A, %dma_start3A, %dma_start3A_51] : memref<2x125x64xf32, #tpu.memory_space<vmem>> -> memref<1x125x64xf32, #tpu.memory_space<vmem>>
        %dma_start3A_53 = tpu.memref_squeeze %dma_start3A_52 : memref<1x125x64xf32, #tpu.memory_space<vmem>> -> memref<125x64xf32, #tpu.memory_space<vmem>>
        %dma_start3A_54 = arith.constant 0 : i32
        %dma_start3A_55 = tpu.memref_slice %arg5[%add3A_43, %dma_start3A_54] : memref<160x125xi32, #tpu.memory_space<vmem>> -> memref<1x125xi32, #tpu.memory_space<vmem>>
        %dma_start3A_56 = tpu.memref_squeeze %dma_start3A_55 : memref<1x125xi32, #tpu.memory_space<vmem>> -> memref<125xi32, #tpu.memory_space<vmem>>
        %dma_start3A_57 = arith.constant 0 : i32
        %dma_start3A_58 = arith.constant 0 : i32
        %dma_start3A_59 = tpu.memref_slice %arg8[%dma_start3A_57, %dma_start3A_58] : memref<10000x64xf32, #tpu.memory_space<vmem_shared>> -> memref<10000x64xf32, #tpu.memory_space<vmem_shared>>
        tpu.enqueue_indirect_dma source(%dma_start3A_53 : memref<125x64xf32, #tpu.memory_space<vmem>>) target(%dma_start3A_59 : memref<10000x64xf32, #tpu.memory_space<vmem_shared>>) offsets(%dma_start3A_56 : memref<125xi32, #tpu.memory_space<vmem>>) semaphore(%run_scoped3A_50 : memref<!tpu.dma_semaphore, #tpu.memory_space<semaphore_mem>>) {add = true}
        %dma_wait3A = arith.constant 0 : i32
        %dma_wait3A_60 = arith.constant 0 : i32
        %dma_wait3A_61 = tpu.memref_slice %arg6[%run_scoped3A, %dma_wait3A, %dma_wait3A_60] : memref<2x125x64xf32, #tpu.memory_space<vmem>> -> memref<1x125x64xf32, #tpu.memory_space<vmem>>
        %dma_wait3A_62 = tpu.memref_squeeze %dma_wait3A_61 : memref<1x125x64xf32, #tpu.memory_space<vmem>> -> memref<125x64xf32, #tpu.memory_space<vmem>>
        %dma_wait3A_63 = arith.constant 0 : i32
        %dma_wait3A_64 = tpu.memref_slice %arg5[%add3A_43, %dma_wait3A_63] : memref<160x125xi32, #tpu.memory_space<vmem>> -> memref<1x125xi32, #tpu.memory_space<vmem>>
        %dma_wait3A_65 = tpu.memref_squeeze %dma_wait3A_64 : memref<1x125xi32, #tpu.memory_space<vmem>> -> memref<125xi32, #tpu.memory_space<vmem>>
        %dma_wait3A_66 = arith.constant 0 : i32
        %dma_wait3A_67 = arith.constant 0 : i32
        %dma_wait3A_68 = tpu.memref_slice %arg8[%dma_wait3A_66, %dma_wait3A_67] : memref<10000x64xf32, #tpu.memory_space<vmem_shared>> -> memref<10000x64xf32, #tpu.memory_space<vmem_shared>>
        tpu.wait_indirect_dma semaphore(%run_scoped3A_50 : memref<!tpu.dma_semaphore, #tpu.memory_space<semaphore_mem>>) src(%dma_wait3A_62 : memref<125x64xf32, #tpu.memory_space<vmem>>) dst(%dma_wait3A_68 : memref<10000x64xf32, #tpu.memory_space<vmem_shared>>)
        tpu.yield
      }) : () -> ()
      %mul3A_44 = arith.constant 2 : i32
      %mul3A_45 = arith.muli %scan3A_38, %mul3A_44 : i32
      %add3A_46 = arith.constant 1 : i32
      %add3A_47 = arith.addi %mul3A_45, %add3A_46 : i32
      %run_scoped3A_48 = arith.constant 1 : i32
      "tpu.region"() ({
        %run_scoped3A_50 = tpu.sem_alloc : memref<!tpu.dma_semaphore, #tpu.memory_space<semaphore_mem>>
        %dma_start3A = arith.constant 0 : i32
        %dma_start3A_51 = arith.constant 0 : i32
        %dma_start3A_52 = tpu.memref_slice %arg6[%run_scoped3A_48, %dma_start3A, %dma_start3A_51] : memref<2x125x64xf32, #tpu.memory_space<vmem>> -> memref<1x125x64xf32, #tpu.memory_space<vmem>>
        %dma_start3A_53 = tpu.memref_squeeze %dma_start3A_52 : memref<1x125x64xf32, #tpu.memory_space<vmem>> -> memref<125x64xf32, #tpu.memory_space<vmem>>
        %dma_start3A_54 = arith.constant 0 : i32
        %dma_start3A_55 = tpu.memref_slice %arg5[%add3A_47, %dma_start3A_54] : memref<160x125xi32, #tpu.memory_space<vmem>> -> memref<1x125xi32, #tpu.memory_space<vmem>>
        %dma_start3A_56 = tpu.memref_squeeze %dma_start3A_55 : memref<1x125xi32, #tpu.memory_space<vmem>> -> memref<125xi32, #tpu.memory_space<vmem>>
        %dma_start3A_57 = arith.constant 0 : i32
        %dma_start3A_58 = arith.constant 0 : i32
        %dma_start3A_59 = tpu.memref_slice %arg8[%dma_start3A_57, %dma_start3A_58] : memref<10000x64xf32, #tpu.memory_space<vmem_shared>> -> memref<10000x64xf32, #tpu.memory_space<vmem_shared>>
        tpu.enqueue_indirect_dma source(%dma_start3A_53 : memref<125x64xf32, #tpu.memory_space<vmem>>) target(%dma_start3A_59 : memref<10000x64xf32, #tpu.memory_space<vmem_shared>>) offsets(%dma_start3A_56 : memref<125xi32, #tpu.memory_space<vmem>>) semaphore(%run_scoped3A_50 : memref<!tpu.dma_semaphore, #tpu.memory_space<semaphore_mem>>) {add = true}
        %dma_wait3A = arith.constant 0 : i32
        %dma_wait3A_60 = arith.constant 0 : i32
        %dma_wait3A_61 = tpu.memref_slice %arg6[%run_scoped3A_48, %dma_wait3A, %dma_wait3A_60] : memref<2x125x64xf32, #tpu.memory_space<vmem>> -> memref<1x125x64xf32, #tpu.memory_space<vmem>>
        %dma_wait3A_62 = tpu.memref_squeeze %dma_wait3A_61 : memref<1x125x64xf32, #tpu.memory_space<vmem>> -> memref<125x64xf32, #tpu.memory_space<vmem>>
        %dma_wait3A_63 = arith.constant 0 : i32
        %dma_wait3A_64 = tpu.memref_slice %arg5[%add3A_47, %dma_wait3A_63] : memref<160x125xi32, #tpu.memory_space<vmem>> -> memref<1x125xi32, #tpu.memory_space<vmem>>
        %dma_wait3A_65 = tpu.memref_squeeze %dma_wait3A_64 : memref<1x125xi32, #tpu.memory_space<vmem>> -> memref<125xi32, #tpu.memory_space<vmem>>
        %dma_wait3A_66 = arith.constant 0 : i32
        %dma_wait3A_67 = arith.constant 0 : i32
        %dma_wait3A_68 = tpu.memref_slice %arg8[%dma_wait3A_66, %dma_wait3A_67] : memref<10000x64xf32, #tpu.memory_space<vmem_shared>> -> memref<10000x64xf32, #tpu.memory_space<vmem_shared>>
        tpu.wait_indirect_dma semaphore(%run_scoped3A_50 : memref<!tpu.dma_semaphore, #tpu.memory_space<semaphore_mem>>) src(%dma_wait3A_62 : memref<125x64xf32, #tpu.memory_space<vmem>>) dst(%dma_wait3A_68 : memref<10000x64xf32, #tpu.memory_space<vmem_shared>>)
        tpu.yield
      }) : () -> ()
      %scan3A_49 = arith.constant 0 : i32
      scf.yield %scan3A_49 : i32
    }
    %scan3A_34 = arith.constant 80 : i32
    %barrier3A_35 = arith.constant 0 : index
    tpu.barrier barrier_id(%barrier3A_35)
    %mul3A_36 = arith.constant 625 : i32
    %mul3A_37 = arith.muli %arg1, %mul3A_36 : i32
    "tpu.region"() ({
      %run_scoped3A = tpu.sem_alloc : memref<!tpu.dma_semaphore, #tpu.memory_space<semaphore_mem>>
      %dma_start3A = tpu.memref_slice %arg4[%mul3A_37, %mul3A_2] : memref<10000x128xf32, #tpu.memory_space<hbm>> -> memref<625x64xf32, #tpu.memory_space<hbm>>
      %dma_start3A_38 = arith.constant 0 : i32
      %dma_start3A_39 = tpu.memref_slice %arg8[%mul3A_37, %dma_start3A_38] : memref<10000x64xf32, #tpu.memory_space<vmem_shared>> -> memref<625x64xf32, #tpu.memory_space<vmem_shared>>
      tpu.enqueue_dma source(%dma_start3A_39 : memref<625x64xf32, #tpu.memory_space<vmem_shared>>) target(%dma_start3A : memref<625x64xf32, #tpu.memory_space<hbm>>) target_semaphore(%run_scoped3A : memref<!tpu.dma_semaphore, #tpu.memory_space<semaphore_mem>>)
      %dma_wait3A = tpu.memref_slice %arg4[%mul3A_37, %mul3A_2] : memref<10000x128xf32, #tpu.memory_space<hbm>> -> memref<625x64xf32, #tpu.memory_space<hbm>>
      %dma_wait3A_40 = arith.constant 0 : i32
      %dma_wait3A_41 = tpu.memref_slice %arg8[%mul3A_37, %dma_wait3A_40] : memref<10000x64xf32, #tpu.memory_space<vmem_shared>> -> memref<625x64xf32, #tpu.memory_space<vmem_shared>>
      tpu.wait_dma2 semaphore(%run_scoped3A : memref<!tpu.dma_semaphore, #tpu.memory_space<semaphore_mem>>) src(%dma_wait3A_41 : memref<625x64xf32, #tpu.memory_space<vmem_shared>>) dst(%dma_wait3A : memref<625x64xf32, #tpu.memory_space<hbm>>)
      tpu.yield
    }) : () -> ()
    return
  }
}

</mosaic_0001>

<sc_bundles>
// kernel: _scatter_add.3.cloned.1.call-start
scs
__scs_entry_jumppad:
0x0: {  	(pc) =	sbr.rel $0x88, $3  }
0x1: {  	(tag) =	ssettag $0x0;
	lr =	simm.s32 $0x1  }
0x2: {  	[smem:$0x3F9F] =	sst lr;
	_ =	strace $0xD0000000  }
0x3: {  	_ = 	snop  }
0x4: {  	_ = 	snop  }
0x5: {  	_ = 	snop  }
0x6: {  	_ = 	snop  }
0x7: {  	_ = 	snop  }
__scs_overlays_trampoline_lowered:
0x8: {  	[smem:$0x3FAE] =	sst s0  }
0x9: {  	[smem:$0x3FAF] =	sst s1  }
0xa: {  	[smem:$0x3FB0] =	sst s2  }
0xb: {  	[smem:$0x3FB1] =	sst s3  }
0xc: {  	[smem:$0x3FB2] =	sst s4  }
0xd: {  	[smem:$0x3FB3] =	sst s5  }
0xe: {  	[smem:$0x3FB4] =	sst s6  }
0xf: {  	[smem:$0x3FB5] =	sst s7  }
0x10: {  	[smem:$0x3FB6] =	sst s8  }
0x11: {  	[smem:$0x3FB7] =	sst s9;
	s0 =	simm.s32 @!p0 $0x0  }
0x12: {  	s1 =	sld [smem:$0x3F9D];
	s0 =	simm.s32 @p0 $0x1  }
0x13: {  	[smem:$0x3FB8] =	sst s0;
	s0 =	simm.s32 @!p1 $0x0  }
0x14: {  	s2 =	sld [smem:$0x3F9C];
	s0 =	simm.s32 @p1 $0x1  }
0x15: {  	[smem:$0x3FB9] =	sst s0;
	s0 =	simm.s32 @!p2 $0x0  }
0x16: {  	s3 =	sld [smem:$0x3FDB];
	s0 =	simm.s32 @p2 $0x1  }
0x17: {  	s4 =	simm.s32 $0x1BF5;
	[smem:$0x3FBB] =	sst s0  }
0x18: {  	s0 =	sld [smem:$0x3F9E];
	_ =	swait.ge [sflag:s4], $0x0  }
0x19: {  	s7 =	sld [smem:$0x3F9F]  }
0x1a: {  	s8 =	sadd.s32 $0xFFFFE003, lr  }
0x1b: {  	s9 =	sadd.s32 $0xFFFFFEF7, lr;
	s5 =	simm.s32 $0xFFFFFFFF;
	p2 =	slt.u32 s8, $0xFFFFF086  }
0x1c: {  	p1 =	slt.u32 s9, $0xF7A;
	s5 =	simm.s32 @!p2 $0x0  }
0x1d: {  	s5 =	simm.s32 @p1 $0x1;
	p0 =	seq.s32 s7, s2  }
0x1e: {  	s7 =	smul.u32 @!p0 $0xF7A, s2;
	p2 =	seq.s32 @!p0 s5, $0x0  }
0x1f: {  	s9 =	smul.u32 $0xF7A, s1;
	s8 =	simm.s32 @!p0 $0x1BF5;
	p2 =	por !p2, p0  }
0x20: {  	[sflag:s8] =	ssyncset.s32 @!p0 $0xFFFFF086;
	s6 =	sadd.s32 @!p0 s3, s7;
	s7 =	simm.s32 @!p0 $0x108  }
0x21: {  	s3 =	sadd.s32 s3, s9;
	s6 =	sadd.s32 @!p0 $0x88, s6;
	s7 =	simm.s32 @p2 $0x1082  }
0x22: {  	[simem:s7], [sflag:s8] =	dma.local @!p0 [hbm:s6], $0xF7A  }
0x23: {  	s9 =	sor.u32 $0xD0000000, s2;
	s6 =	simm.s32 $0x108;
	_ =	swait.ge @!p0 [sflag:s8], $0x0  }
0x24: {  	s3 =	sadd.s32 $0x88, s3;
	s6 =	simm.s32 @!p1 $0x1082;
	[sflag:s4] =	ssyncset.s32 $0xFFFFF086  }
0x25: {  	[simem:s6], [sflag:s4] =	dma.local [hbm:s3], $0xF7A  }
0x26: {  	[smem:$0x3F9F] =	sst s1;
	(tag) =	ssettag s2;
	_ =	strace s9  }
0x27: {  	s1 =	sld [smem:$0x3FAF]  }
0x28: {  	s2 =	sld [smem:$0x3FB0]  }
0x29: {  	s4 =	sld [smem:$0x3FB2]  }
0x2a: {  	p0 =	seq.s32 s5, $0x0;
	s5 =	sld [smem:$0x3FB3]  }
0x2b: {  	s6 =	sld [smem:$0x3FB4]  }
0x2c: {  	s7 =	sld [smem:$0x3FB5]  }
0x2d: {  	s3 =	simm.s32 $0x108;
	s8 =	sld [smem:$0x3FB6]  }
0x2e: {  	s3 =	simm.s32 @!p0 $0x1082;
	s9 =	sld [smem:$0x3FB7]  }
0x2f: {  	lr =	sadd.s32 s0, s3;
	s0 =	sld [smem:$0x3FAE]  }
0x30: {  	s3 =	sld [smem:$0x3FB1]  }
0x31: {  	[smem:$0x3FBA] =	sst s10  }
0x32: {  	s10 =	sld [smem:$0x3FB8];
	_ =	sdelay $0x3  }
0x33: {  	p0 =	seq.s32 s10, $0x1;
	s10 =	sld [smem:$0x3FBA];
	_ =	sdelay $0x3  }
0x34: {  	[smem:$0x3FBA] =	sst s10  }
0x35: {  	s10 =	sld [smem:$0x3FB9];
	_ =	sdelay $0x3  }
0x36: {  	p1 =	seq.s32 s10, $0x1;
	s10 =	sld [smem:$0x3FBA];
	_ =	sdelay $0x3  }
0x37: {  	[smem:$0x3FBA] =	sst s10  }
0x38: {  	s10 =	sld [smem:$0x3FBB]  }
0x39: {  	_ = 	snop;
	(pc) =	sbr.ind lr, $3  }
0x3a: {  	_ = 	snop  }
0x3b: {  	_ = 	snop  }
0x3c: {  	p2 =	seq.s32 s10, $0x1;
	s10 =	sld [smem:$0x3FBA]  }
0x3d: {  	_ =	shalt  }
0x3e: {  	_ =	shalt  }
0x3f: {  	_ =	shalt  }
0x40: {  	_ =	shalt  }
0x41: {  	_ =	shalt  }
0x42: {  	_ =	shalt  }
0x43: {  	_ =	shalt  }
0x44: {  	_ =	shalt  }
0x45: {  	_ =	shalt  }
0x46: {  	_ =	shalt  }
0x47: {  	_ =	shalt  }
0x48: {  	_ =	shalt  }
0x49: {  	_ =	shalt  }
0x4a: {  	_ =	shalt  }
0x4b: {  	_ =	shalt  }
0x4c: {  	_ =	shalt  }
0x4d: {  	_ =	shalt  }
0x4e: {  	_ =	shalt  }
0x4f: {  	_ =	shalt  }
0x50: {  	_ =	shalt  }
0x51: {  	_ =	shalt  }
0x52: {  	_ =	shalt  }
0x53: {  	_ =	shalt  }
0x54: {  	_ =	shalt  }
0x55: {  	_ =	shalt  }
0x56: {  	_ =	shalt  }
0x57: {  	_ =	shalt  }
0x58: {  	_ =	shalt  }
0x59: {  	_ =	shalt  }
0x5a: {  	_ =	shalt  }
0x5b: {  	_ =	shalt  }
0x5c: {  	_ =	shalt  }
0x5d: {  	_ =	shalt  }
0x5e: {  	_ =	shalt  }
0x5f: {  	_ =	shalt  }
0x60: {  	_ =	shalt  }
0x61: {  	_ =	shalt  }
0x62: {  	_ =	shalt  }
0x63: {  	_ =	shalt  }
0x64: {  	_ =	shalt  }
0x65: {  	_ =	shalt  }
0x66: {  	_ =	shalt  }
0x67: {  	_ =	shalt  }
0x68: {  	_ =	shalt  }
0x69: {  	_ =	shalt  }
0x6a: {  	_ =	shalt  }
0x6b: {  	_ =	shalt  }
0x6c: {  	_ =	shalt  }
0x6d: {  	_ =	shalt  }
0x6e: {  	_ =	shalt  }
0x6f: {  	_ =	shalt  }
0x70: {  	_ =	shalt  }
0x71: {  	_ =	shalt  }
0x72: {  	_ =	shalt  }
0x73: {  	_ =	shalt  }
0x74: {  	_ =	shalt  }
0x75: {  	_ =	shalt  }
0x76: {  	_ =	shalt  }
0x77: {  	_ =	shalt  }
0x78: {  	_ =	shalt  }
0x79: {  	_ =	shalt  }
0x7a: {  	_ =	shalt  }
0x7b: {  	_ =	shalt  }
0x7c: {  	_ =	shalt  }
0x7d: {  	_ =	shalt  }
0x7e: {  	_ =	shalt  }
0x7f: {  	_ =	shalt  }
0x80: {  	_ =	shalt  }
0x81: {  	_ =	shalt  }
0x82: {  	_ =	shalt  }
0x83: {  	_ =	shalt  }
0x84: {  	_ =	shalt  }
0x85: {  	_ =	shalt  }
0x86: {  	_ =	shalt  }
0x87: {  	_ =	shalt  }
.Lfunc_end0:
.L_simem_size_0:
called_computation_lowered:
.L_overlay_start_0:
0x88: {  	s2 =	sld [smem:$0x3FD9]  }
0x89: {  	s3 =	sld [smem:$0x3FFE];
	_ =	sdelay $0x1  }
0x8a: {  	s1 =	srdreg.scid  }
0x8b: {  	s0 =	sand.u32 $0x1, s1  }
0x8c: {  	s17 =	sshll.u32 s0, $0xA;
	s2 =	sadd.s32 s3, s2  }
0x8d: {  	s2 =	sadd.s32 s2, s17  }
0x8e: {  	[smem:$0x3FC6] =	sst s2  }
0x8f: {  	_ = 	snop  }
0x90: {  	s2 =	sld [smem:$0x3FD0];
	(tm) =	ssettm $0x1  }
0x91: {  	s18 =	sld [smem:$0x3FFB];
	_ =	sdelay $0x3  }
0x92: {  	_ =	strace s18  }
0x93: {  	s3 =	sld [smem:$0x3FFC];
	_ =	sdelay $0x3  }
0x94: {  	_ =	strace s3  }
0x95: {  	s3 =	sld [smem:$0x3FFD];
	_ =	sdelay $0x3  }
0x96: {  	_ =	strace s3  }
0x97: {  	_ =	strace $0x8FFFFFFF  }
0x98: {  	s19 =	sld [smem:$0x3FDB];
	_ =	sdelay $0x1  }
0x99: {  	s4 =	simm.s32 $_scs_section_size  }
0x9a: {  	s5 =	simm.s32 $_size__tile_overlayer_lowered;
	s6 =	simm.s32 $_tile_overlayer_lowered  }
0x9b: {  	s22 =	simm.s32 $0x1BFF;
	s21 =	sshll.u32 s6, $0x1;
	s3 =	sadd.s32 s4, s19  }
0x9c: {  	s7 =	simm.s32 $0x0;
	s20 =	sshll.u32 s5, $0x1;
	s5 =	sadd.s32 s21, s3  }
0x9d: {  	[timem:s7], [sflag:s22] =	dma.local [hbm:s5], s20  }
0x9e: {  	_ =	swait.ge [sflag:s22], s20  }
0x9f: {  	s4 =	ssub.s32 $0x0, s20;
	[sflag:s22] =	ssyncset.done $0x0  }
0xa0: {  	[sflag:s22] =	ssyncadd.s32 s4;
	_ =	sdelay $0x1  }
0xa1: {  	s23 =	simm.s32 $0x1B8B  }
0xa2: {  	_ =	swait.ge [sflag:s23], $0x1  }
0xa3: {  	[sflag:s23] =	ssyncset.done $0x0  }
0xa4: {  	s25 =	simm.s32 $0x1B8E;
	s24 =	sld [smem:$0x3FFE];
	[sflag:s23] =	ssyncadd.s32 $0xFFFFFFFF  }
0xa5: {  	s26 =	simm.s32 $execute0_lowered;
	[smem:$0x3FD2] =	sst s25  }
0xa6: {  	s5 =	sshll.u32 s26, $0x1;
	_ =	strace $0x80000046;
	[dreg:$0x1] =	wrdreg $0xFFFFFFFF  }
0xa7: {  	s28 =	simm.s32 $_size_execute0_lowered;
	s3 =	sadd.s32 s3, s5;
	[dreg:$0x0] =	wrdreg $0x0  }
0xa8: {  	s5 =	sshll.u32 s28, $0x1;
	[dreg:$0x2] =	wrdreg s3  }
0xa9: {  	[dreg:$0x3] =	wrdreg s5  }
0xaa: {  	[dreg:$0x4] =	wrdreg $0xC0  }
0xab: {  	_ =	task [dreg:s7], $0x5FFFF  }
0xac: {  	[dreg:$0x1] =	wrdreg $0xFFFFFFFF  }
0xad: {  	[dreg:$0x0] =	wrdreg $0x60  }
0xae: {  	[dreg:$0x2] =	wrdreg s24  }
0xaf: {  	[dreg:$0x3] =	wrdreg s2  }
0xb0: {  	[dreg:$0x4] =	wrdreg $0xADC00  }
0xb1: {  	[dreg:$0x5] =	wrdreg $0x9  }
0xb2: {  	_ =	task.clear_ibuf [dreg:s7], $0x6FFFF;
	_ =	strace $0x90000046  }
0xb3: {  	s29 =	simm.s32 $0x9;
	_ =	strace $0x80000048  }
0xb4: {  	_ =	swait.ge [sflag:s29], $0x1  }
0xb5: {  	[sflag:s29] =	ssyncadd.s32 $0xFFFFFFFF  }
0xb6: {  	_ =	strace $0x90000048  }
0xb7: {  	_ =	sfence  }
0xb8: {  	s30 =	sld [smem:$0x0];
	_ =	sdelay $0x2  }
0xb9: {  	s31 =	sshll.u32 s1, $0xD;
	s1 =	sshrl.u32 s1, $0x2  }
0xba: {  	s3 =	sand.u32 $0x4000, s31;
	s1 =	sadd.s32 s1, s30  }
0xbb: {  	s0 =	sor.u32 s3, s0;
	s1 =	sshll.u32 s1, $0x11  }
0xbc: {  	s0 =	sor.u32 s1, s0  }
0xbd: {  	s0 =	sadd.s32 $0x8F2B, s0  }
0xbe: {  	[sflag:s0] =	ssyncadd.remote.s32 $0x1  }
0xbf: {  	_ =	sfence.sel $0xFFFF  }
0xc0: {  	[dreg:$0x0] =	wrdreg $0xFFFFFFFF;
	(pc) =	sbr.abs _section_cstart, $3  }
0xc1: {  	[dreg:$0x1] =	wrdreg $0xFFFFFFFF  }
0xc2: {  	_ =	task.clear_ibuf [dreg:s7], $0x2FFFF;
	_ =	strace $0x9FFFFFFF  }
0xc3: {  	(tm) =	ssettm $0x7FFFFFFF  }
tec
execute0_lowered:
.L_overlay_start_1:
0x0: {  	(tag) =	ssettag $0x1  }
0x1: {  	s4 =	rddreg [dreg:$0x0]  }
0x2: {  	s10 =	rddreg [dreg:$0x1]  }
0x3: {  	s2 =	rddreg [dreg:$0x2]  }
0x4: {  	s0 =	rddreg [dreg:$0x3]  }
0x5: {  	s3 =	simm.s32 $0x0;
	s1 =	stileid.u32;
	s5 =	srdreg.scid  }
0x6: {  	s13 =	simm.s32 $0x8E80;
	s14 =	simm.s32 $0x7D;
	s15 =	simm.s32 $0x5000  }
0x7: {  	s16 =	simm.s32 $0x6F40;
	s19 =	simm.s32 $0x10;
	s6 =	smul.u32 $0xA00, s1  }
0x8: {  	s20 =	simm.s32 $0x8;
	s21 =	simm.s32 $0x0;
	s8 =	smul.u32 $0x27100, s1  }
0x9: {  	[smem:$0x7FF] =	sst s3;
	s5 =	sand.u32 $0x1, s5;
	s9 =	smul.u32 $0x13880, s1  }
0xa: {  	s17 =	sshll.u32 s1, $0x6;
	_ =	strace $0x80000047;
	s7 =	ssub.s32 $0x2, s5  }
0xb: {  	s30 =	sshll.u32 s5, $0x6;
	s17 =	sor.u32 $0x1C01, s17;
	s4 =	sadd.s32 s6, s4  }
0xc: {  	s28 =	sshrl.u32 s7, $0x1;
	s29 =	sshrl.u32 s8, $0x2;
	s31 =	sor.u32 s30, s9  }
0xd: {  	s11 =	ssub.s32 s7, s28;
	s4 =	sadd.s32 $0x400, s4;
	s5 =	sadd.s32 s29, s2  }
0xe: {  	s12 =	sshrl.u32 s31, $0x3;
	s6 =	sadd.s32 $0x1F40, s5;
	s7 =	sadd.s32 $0x3E80, s5  }
0xf: {  	s8 =	sadd.s32 $0x5DC0, s5;
	s9 =	sadd.s32 $0x7D00, s5;
	s10 =	sadd.s32 s10, s12  }
0x10: {  	v0 =	vimm.f32 $0.0e+00;
	s11 =	smax.u32 s11, $0x1;
	s12 =	simm.s32 $0x1;
	s18 =	sshrl.u32 s5, $0x3  }
.LBB2_1:
0x11: {  	[tilespmem:s3], [sflag:$0x1] =	stream.linear.gather [hbm4b:s4+s3], $0x5000, $0x38;
	[tilespmem:$0x14A00] =	vst v63  }
0x12: {  	_ =	swait.ge [sflag:s12], $0x5000  }
0x13: {  	[sflag:s12] =	ssyncset.done $0x0  }
0x14: {  	s23 =	simm.s32 $0x100;
	s22 =	simm.s32 $0x0;
	[sflag:s12] =	ssyncadd.s32 $0xFFFFB000  }
.LBB2_2:
0x15: {  	p0 =	sne.s32 s23, $0x7C00;
	[tilespmem:s22+$0x8EB0] =	vst v0;
	s24 =	smov.u32 s23;
	s23 =	sadd.s32 $0x100, s23  }
.Ltmp0:
0x16: {  	[tilespmem:s22+$0x8EA0] =	vst v0;
	(pc) =	sbr.rel @p0 .LBB2_2-.Ltmp0, $3  }
0x17: {  	[tilespmem:s22+$0x8E80] =	vst v0  }
0x18: {  	[tilespmem:s22+$0x8E90] =	vst v0;
	_ =	sdelay $0x1  }
0x19: {  	s22 =	sshra.s32 s24, $0x2  }
0x1a: {  	[tilespmem:s22+$0x8EB0] =	vst v0  }
0x1b: {  	[tilespmem:s22+$0x8EA0] =	vst v0  }
0x1c: {  	[tilespmem:s22+$0x8E80] =	vst v0  }
0x1d: {  	[tilespmem:s22+$0x8E90] =	vst v0  }
0x1e: {  	[spmem:s5] =	stream.linear.scatter [tilespmem:s13], [sflag:$0x1], $0x1F40, $0x38;
	[tilespmem:$0x14A00] =	vst v63  }
0x1f: {  	_ =	swait.ge [sflag:s12], $0x1F40  }
0x20: {  	[sflag:s12] =	ssyncset.done $0x0  }
0x21: {  	[sflag:s12] =	ssyncadd.s32 $0xFFFFE0C0  }
0x22: {  	[spmem:s6] =	stream.linear.scatter [tilespmem:s13], [sflag:$0x1], $0x1F40, $0x38;
	[tilespmem:$0x14A00] =	vst v63  }
0x23: {  	_ =	swait.ge [sflag:s12], $0x1F40  }
0x24: {  	[sflag:s12] =	ssyncset.done $0x0  }
0x25: {  	[sflag:s12] =	ssyncadd.s32 $0xFFFFE0C0  }
0x26: {  	[spmem:s7] =	stream.linear.scatter [tilespmem:s13], [sflag:$0x1], $0x1F40, $0x38;
	[tilespmem:$0x14A00] =	vst v63  }
0x27: {  	_ =	swait.ge [sflag:s12], $0x1F40  }
0x28: {  	[sflag:s12] =	ssyncset.done $0x0  }
0x29: {  	[sflag:s12] =	ssyncadd.s32 $0xFFFFE0C0  }
0x2a: {  	[spmem:s8] =	stream.linear.scatter [tilespmem:s13], [sflag:$0x1], $0x1F40, $0x38;
	[tilespmem:$0x14A00] =	vst v63  }
0x2b: {  	_ =	swait.ge [sflag:s12], $0x1F40  }
0x2c: {  	[sflag:s12] =	ssyncset.done $0x0  }
0x2d: {  	[sflag:s12] =	ssyncadd.s32 $0xFFFFE0C0  }
0x2e: {  	[spmem:s9] =	stream.linear.scatter [tilespmem:s13], [sflag:$0x1], $0x1F40, $0x38;
	[tilespmem:$0x14A00] =	vst v63  }
0x2f: {  	_ =	swait.ge [sflag:s12], $0x1F40  }
0x30: {  	[sflag:s12] =	ssyncset.done $0x0  }
0x31: {  	[sflag:s12] =	ssyncadd.s32 $0xFFFFE0C0  }
0x32: {  	s30 =	simm.s32 $0x0;
	[bflag:$0x0] =	sbarrier.arrive $0xFFFF  }
0x33: {  	[spmem:s2] =	stream.indirect.scatter.add.f32 [tilespmem:s15], [sflag:$0x1], $0x40, s30, s14, $0xb8;
	[tilespmem:$0x14A00] =	vst v63  }
0x34: {  	_ =	swait.ge [sflag:s12], $0x1F40  }
0x35: {  	[sflag:s12] =	ssyncset.done $0x0  }
0x36: {  	s31 =	simm.s32 $0x80;
	[sflag:s12] =	ssyncadd.s32 $0xFFFFE0C0  }
0x37: {  	[spmem:s2] =	stream.indirect.scatter.add.f32 [tilespmem:s16], [sflag:$0x1], $0x40, s31, s14, $0xb8;
	[tilespmem:$0x14A00] =	vst v63  }
0x38: {  	_ =	swait.ge [sflag:s12], $0x1F40  }
0x39: {  	s22 =	simm.s32 $0x400;
	s23 =	simm.s32 $0x800;
	[sflag:s12] =	ssyncset.done $0x0  }
.LBB2_4:
0x3a: {  	s24 =	sshra.s32 s22, $0x2  }
0x3b: {  	[sflag:s12] =	ssyncadd.s32 $0xFFFFE0C0;
	s22 =	smov.u32 s23;
	s25 =	sadd.s32 $0x400, s23  }
0x3c: {  	[spmem:s2] =	stream.indirect.scatter.add.f32 [tilespmem:s15], [sflag:$0x1], $0x40, s24, s14, $0xb8;
	[tilespmem:$0x14A00] =	vst v63  }
0x3d: {  	p0 =	sne.s32 s23, $0x13C00;
	_ =	swait.ge [sflag:s12], $0x1F40  }
.Ltmp1:
0x3e: {  	[sflag:s12] =	ssyncset.done $0x0;
	(pc) =	sbr.rel @p0 .LBB2_4-.Ltmp1, $4  }
0x3f: {  	s23 =	sadd.s32 $0x80, s24;
	[sflag:s12] =	ssyncadd.s32 $0xFFFFE0C0  }
0x40: {  	[spmem:s2] =	stream.indirect.scatter.add.f32 [tilespmem:s16], [sflag:$0x1], $0x40, s23, s14, $0xb8;
	[tilespmem:$0x14A00] =	vst v63  }
0x41: {  	_ =	swait.ge [sflag:s12], $0x1F40  }
0x42: {  	s23 =	smov.u32 s25;
	[sflag:s12] =	ssyncset.done $0x0  }
0x43: {  	s22 =	sshra.s32 s22, $0x2;
	[sflag:s12] =	ssyncadd.s32 $0xFFFFE0C0  }
0x44: {  	[spmem:s2] =	stream.indirect.scatter.add.f32 [tilespmem:s15], [sflag:$0x1], $0x40, s22, s14, $0xb8;
	[tilespmem:$0x14A00] =	vst v63  }
0x45: {  	_ =	swait.ge [sflag:s12], $0x1F40  }
0x46: {  	[sflag:s12] =	ssyncset.done $0x0  }
0x47: {  	s22 =	sadd.s32 $0x80, s22;
	[sflag:s12] =	ssyncadd.s32 $0xFFFFE0C0  }
0x48: {  	[spmem:s2] =	stream.indirect.scatter.add.f32 [tilespmem:s16], [sflag:$0x1], $0x40, s22, s14, $0xb8;
	[tilespmem:$0x14A00] =	vst v63  }
0x49: {  	_ =	swait.ge [sflag:s12], $0x1F40  }
0x4a: {  	s21 =	sadd.s32 $0x1, s21;
	[sflag:s12] =	ssyncset.done $0x0  }
0x4b: {  	p0 =	sne.s32 s21, s11;
	[sflag:s12] =	ssyncadd.s32 $0xFFFFE0C0  }
.Ltmp2:
0x4c: {  	[bflag:$0x0] =	sbarrier.arrive $0xFFFF;
	(pc) =	sbr.rel @p0 .LBB2_1-.Ltmp2, $4  }
0x4d: {  	[hbm:s10@s19], [sflag:s17] =	dma.strided [spmem:s18@s20], $0x1388, s12, $0x8   }
0x4e: {  	_ =	swait.ge [sflag:s12], $0x1388  }
0x4f: {  	[sflag:s12] =	ssyncset.done $0x0  }
0x50: {  	[sflag:s12] =	ssyncadd.s32 $0xFFFFEC78  }
0x51: {  	_ =	sfence.sel $0x180000  }
0x52: {  	[bflag:$0x0] =	sbarrier.arrive $0xFFFF  }
0x53: {  	p0 =	sne.s32 s1, $0x0;
	_ =	strace $0x90000047  }
0x54: {  	s0 =	sadd.s32 @!p0 $0x100000, s0;
	[bflag:$0x2] =	sbarrier.arrive $0xFFFF  }
0x55: {  	[sflag:s0] =	ssyncadd.tile.s32 @!p0 $0x1;
	_ =	shalt  }
.Lfunc_end2:
_tile_overlayer_lowered:
.L_overlay_start_2:
0x56: {  	(tag) =	ssettag $0x2  }
0x57: {  	s0 =	rddreg [dreg:$0x0];
	s2 =	stileid.u32  }
0x58: {  	s1 =	rddreg [dreg:$0x1];
	p0 =	sne.s32 s2, $0x0  }
0x59: {  	s3 =	rddreg [dreg:$0x2];
	[bflag:$0x3] =	sbarrier.arrive $0xFFFF;
	s2 =	simm.s32 @!p0 $0x1C01  }
0x5a: {  	[timem:s3], [sflag:s2] =	dma.local @!p0 [hbm:s0], s1  }
0x5b: {  	s0 =	simm.s32 @!p0 $0x1  }
0x5c: {  	_ =	swait.ge @!p0 [sflag:s0], s1  }
0x5d: {  	s1 =	ssub.s32 @!p0 $0x0, s1;
	[sflag:s0] =	ssyncset.done @!p0 $0x0  }
0x5e: {  	[sflag:s0] =	ssyncadd.s32 @!p0 s1  }
0x5f: {  	[bflag:$0x3] =	sbarrier.arrive $0xFFFF  }
0x60: {  	_ =	shalt  }

</sc_bundles>
